<compile_context>
chip_gen: v7x
topology: tpu7x:2x2x1
jax: 0.10.2.dev20260603
libtpu: 0.0.44.dev20260713+nightly
codegen_flags: <defaults>
</compile_context>

<pallas_src>
import functools

import jax
import jax.numpy as jnp
from jax import lax
from jax.experimental import pallas as pl
from jax.experimental.pallas import tpu as pltpu
from jax.experimental.pallas import tpu_sc as plsc

NUM_EMBEDDINGS = 100000
EMBEDDING_DIM = 128
NUM_FEATURES = 26
BATCH_SIZE = 4096
TOTAL_ROWS = NUM_FEATURES * BATCH_SIZE

_INFO = plsc.get_sparse_core_info()
_NC = _INFO.num_cores
_NS = _INFO.num_subcores
_NW = _NC * _NS
CHUNK = BATCH_SIZE // _NW
NCHUNKS = NUM_FEATURES
NBUF = 6
_MAIN = (NCHUNKS // NBUF) * NBUF


def _gather_body(idx_hbm, table_hbm, out_hbm, idx_v, *scratch):
    bufs = scratch[:NBUF]
    gsem = scratch[NBUF:2 * NBUF]
    wsem = scratch[2 * NBUF:]
    wid = lax.axis_index("s") * _NC + lax.axis_index("c")
    col = wid * CHUNK

    pltpu.sync_copy(idx_hbm.at[:, pl.ds(col, CHUNK)], idx_v)

    def gather(f, b):
        return pltpu.async_copy(table_hbm.at[idx_v.at[f]], bufs[b], gsem[b])

    def gather_wait(f, b):
        pltpu.make_async_copy(
            table_hbm.at[idx_v.at[f]], bufs[b], gsem[b]).wait()

    def write(f, b):
        return pltpu.async_copy(
            bufs[b], out_hbm.at[pl.ds(f * BATCH_SIZE + col, CHUNK)], wsem[b])

    def write_wait(f, b):
        pltpu.make_async_copy(
            bufs[b], out_hbm.at[pl.ds(f * BATCH_SIZE + col, CHUNK)], wsem[b]
        ).wait()

    for b in range(NBUF - 1):
        gather(b, b)

    def body(g, carry):
        for b in range(NBUF):
            f = NBUF * g + b
            nb = (b + NBUF - 1) % NBUF
            nxt = f + NBUF - 1
            gather_wait(f, b)
            write(f, b)
            if b == 0:
                @pl.when(g > 0)
                def _():
                    write_wait(f - 1, nb)

                gather(nxt, nb)
            else:
                @pl.when(nxt < NCHUNKS)
                def _():
                    write_wait(f - 1, nb)
                    gather(nxt, nb)

        return carry

    lax.fori_loop(0, _MAIN // NBUF, body, 0)

    for f in range(_MAIN, NCHUNKS):
        gather_wait(f, f % NBUF)
        write(f, f % NBUF)

    for f in range(NCHUNKS - NBUF, NCHUNKS):
        write_wait(f, f % NBUF)


@jax.jit
def _gather(idx, table):
    mesh = plsc.VectorSubcoreMesh(core_axis_name="c", subcore_axis_name="s")
    k = functools.partial(
        pl.kernel,
        mesh=mesh,
        out_type=jax.ShapeDtypeStruct((TOTAL_ROWS, EMBEDDING_DIM), jnp.float32),
        scratch_types=[
            pltpu.VMEM((NCHUNKS, CHUNK), jnp.int32),
        ]
        + [pltpu.VMEM((CHUNK, EMBEDDING_DIM), jnp.float32)] * NBUF
        + [pltpu.SemaphoreType.DMA] * (2 * NBUF),
    )(_gather_body)
    return k(idx, table)


def kernel(indices, lengths, weights):
    del lengths
    out = _gather(indices.astype(jnp.int32), weights)
    return out.reshape(NUM_FEATURES, BATCH_SIZE, EMBEDDING_DIM)

# --- scband reference (transcript-rebuilt; emitter-appended) ---
"""Pipeline reference for scband-data-parallel-embedding-collection-55920474194310 (READ-ONLY COPY).

The authoritative reference and input builder live on the scoring server;
editing this copy changes nothing except your own understanding.
"""

import jax, jax.numpy as jnp
import numpy as np

NUM_EMBEDDINGS = 100000
EMBEDDING_DIM = 128
NUM_FEATURES = 26
BATCH_SIZE = 4096


def setup_inputs(seed: int = 0) -> dict:
    key = jax.random.key(seed)
    k_idx, k_w = jax.random.split(key)
    # KeyedJaggedTensor modeled with uniform length-1 per (feature, sample):
    # indices[f, b] is the embedding id for feature f, sample b.
    indices = jax.random.randint(
        k_idx, (NUM_FEATURES, BATCH_SIZE), 0, NUM_EMBEDDINGS, dtype=jnp.int64
    )
    lengths = jnp.ones((NUM_FEATURES * BATCH_SIZE,), dtype=jnp.int64)
    # Learned parameter: the data-parallel (replicated) embedding table.
    weights = (
        jax.random.normal(k_w, (NUM_EMBEDDINGS, EMBEDDING_DIM), dtype=jnp.float32)
        * 0.02
    )
    return {"indices": indices, "lengths": lengths, "weights": weights}


def reference(indices, lengths, weights):
    # DataParallelEmbeddingCollection.forward:
    # 1) input dist is a no-op for data-parallel sharding (features stay local,
    #    features_order is identity here so no permute).
    # 2) dp_lookup: sequence (non-pooled) embedding lookup over the flat KJT values.
    flat_values = indices.reshape(-1)  # KJT values, row-major over features
    embeddings = jnp.take(weights, flat_values, axis=0)  # [F*B, D]
    embeddings = embeddings.reshape(-1, EMBEDDING_DIM)
    # 3) kjt.to_dict(): split values back per feature key using lengths.
    #    With uniform length-1 per entry this is a reshape to [F, B, D].
    out = embeddings.reshape(NUM_FEATURES, BATCH_SIZE, EMBEDDING_DIM)
    return out

if __name__ == "__main__":
    import jax
    _d = setup_inputs()
    print(jax.jit(kernel)(*tuple(_d.values())))

</pallas_src>

<mosaic_0001>
#map = affine_map<(d0, d1) -> (0, 0)>
module attributes {stable_mosaic.version = 14 : i64} {
  func.func @_gather_body(%arg0: i32, %arg1: i32, %arg2: memref<26x4096xi32, #tpu.memory_space<hbm>>, %arg3: memref<100000x128xf32, #tpu.memory_space<hbm>>, %arg4: memref<106496x128xf32, #tpu.memory_space<hbm>>, %arg5: memref<26x128xi32, #tpu.memory_space<vmem>>, %arg6: memref<128x128xf32, #tpu.memory_space<vmem>>, %arg7: memref<128x128xf32, #tpu.memory_space<vmem>>, %arg8: memref<128x128xf32, #tpu.memory_space<vmem>>, %arg9: memref<128x128xf32, #tpu.memory_space<vmem>>, %arg10: memref<128x128xf32, #tpu.memory_space<vmem>>, %arg11: memref<128x128xf32, #tpu.memory_space<vmem>>, %arg12: memref<!tpu.dma_semaphore, #tpu.memory_space<semaphore_mem>>, %arg13: memref<!tpu.dma_semaphore, #tpu.memory_space<semaphore_mem>>, %arg14: memref<!tpu.dma_semaphore, #tpu.memory_space<semaphore_mem>>, %arg15: memref<!tpu.dma_semaphore, #tpu.memory_space<semaphore_mem>>, %arg16: memref<!tpu.dma_semaphore, #tpu.memory_space<semaphore_mem>>, %arg17: memref<!tpu.dma_semaphore, #tpu.memory_space<semaphore_mem>>, %arg18: memref<!tpu.dma_semaphore, #tpu.memory_space<semaphore_mem>>, %arg19: memref<!tpu.dma_semaphore, #tpu.memory_space<semaphore_mem>>, %arg20: memref<!tpu.dma_semaphore, #tpu.memory_space<semaphore_mem>>, %arg21: memref<!tpu.dma_semaphore, #tpu.memory_space<semaphore_mem>>, %arg22: memref<!tpu.dma_semaphore, #tpu.memory_space<semaphore_mem>>, %arg23: memref<!tpu.dma_semaphore, #tpu.memory_space<semaphore_mem>>) attributes {dimension_semantics = [#tpu.dimension_semantics<core_parallel>, #tpu.dimension_semantics<subcore_parallel>], iteration_bounds = array<i64: 2, 16>, scalar_prefetch = 0 : i64, scratch_operands = 19 : i64, tpu.core_type = #tpu.core_type<sc_vector_subcore>, window_params = [{transform_indices = #map}, {transform_indices = #map}, {transform_indices = #map}]} {
    %mul3A = arith.constant 2 : i32
    %mul3A_0 = arith.muli %arg1, %mul3A : i32
    %add3A = arith.addi %mul3A_0, %arg0 : i32
    %mul3A_1 = arith.constant 128 : i32
    %mul3A_2 = arith.muli %add3A, %mul3A_1 : i32
    "tpu.region"() ({
      %run_scoped3A = tpu.sem_alloc : memref<!tpu.dma_semaphore, #tpu.memory_space<semaphore_mem>>
      %dma_start3A_103 = arith.constant 0 : i32
      %dma_start3A_104 = tpu.memref_slice %arg2[%dma_start3A_103, %mul3A_2] : memref<26x4096xi32, #tpu.memory_space<hbm>> -> memref<26x128xi32, #tpu.memory_space<hbm>>
      %dma_start3A_105 = arith.constant 0 : i32
      %dma_start3A_106 = tpu.memref_slice %arg2[%dma_start3A_105, %mul3A_2] : memref<26x4096xi32, #tpu.memory_space<hbm>> -> memref<26x128xi32, #tpu.memory_space<hbm>>
      tpu.enqueue_dma source(%dma_start3A_106 : memref<26x128xi32, #tpu.memory_space<hbm>>) target(%arg5 : memref<26x128xi32, #tpu.memory_space<vmem>>) target_semaphore(%run_scoped3A : memref<!tpu.dma_semaphore, #tpu.memory_space<semaphore_mem>>)
      %dma_wait3A_107 = arith.constant 0 : i32
      %dma_wait3A_108 = tpu.memref_slice %arg2[%dma_wait3A_107, %mul3A_2] : memref<26x4096xi32, #tpu.memory_space<hbm>> -> memref<26x128xi32, #tpu.memory_space<hbm>>
      %dma_wait3A_109 = arith.constant 0 : i32
      %dma_wait3A_110 = tpu.memref_slice %arg2[%dma_wait3A_109, %mul3A_2] : memref<26x4096xi32, #tpu.memory_space<hbm>> -> memref<26x128xi32, #tpu.memory_space<hbm>>
      tpu.wait_dma2 semaphore(%run_scoped3A : memref<!tpu.dma_semaphore, #tpu.memory_space<semaphore_mem>>) src(%dma_wait3A_110 : memref<26x128xi32, #tpu.memory_space<hbm>>) dst(%arg5 : memref<26x128xi32, #tpu.memory_space<vmem>>)
      tpu.yield
    }) : () -> ()
    %dma_start3A = arith.constant 0 : i32
    %dma_start3A_3 = arith.constant 0 : i32
    %dma_start3A_4 = tpu.memref_slice %arg5[%dma_start3A, %dma_start3A_3] : memref<26x128xi32, #tpu.memory_space<vmem>> -> memref<1x128xi32, #tpu.memory_space<vmem>>
    %dma_start3A_5 = tpu.memref_squeeze %dma_start3A_4 : memref<1x128xi32, #tpu.memory_space<vmem>> -> memref<128xi32, #tpu.memory_space<vmem>>
    %dma_start3A_6 = arith.constant 0 : i32
    %dma_start3A_7 = arith.constant 0 : i32
    %dma_start3A_8 = tpu.memref_slice %arg3[%dma_start3A_6, %dma_start3A_7] : memref<100000x128xf32, #tpu.memory_space<hbm>> -> memref<100000x128xf32, #tpu.memory_space<hbm>>
    tpu.enqueue_indirect_dma source(%dma_start3A_8 : memref<100000x128xf32, #tpu.memory_space<hbm>>) target(%arg6 : memref<128x128xf32, #tpu.memory_space<vmem>>) offsets(%dma_start3A_5 : memref<128xi32, #tpu.memory_space<vmem>>) semaphore(%arg12 : memref<!tpu.dma_semaphore, #tpu.memory_space<semaphore_mem>>)
    %dma_start3A_9 = arith.constant 1 : i32
    %dma_start3A_10 = arith.constant 0 : i32
    %dma_start3A_11 = tpu.memref_slice %arg5[%dma_start3A_9, %dma_start3A_10] : memref<26x128xi32, #tpu.memory_space<vmem>> -> memref<1x128xi32, #tpu.memory_space<vmem>>
    %dma_start3A_12 = tpu.memref_squeeze %dma_start3A_11 : memref<1x128xi32, #tpu.memory_space<vmem>> -> memref<128xi32, #tpu.memory_space<vmem>>
    %dma_start3A_13 = arith.constant 0 : i32
    %dma_start3A_14 = arith.constant 0 : i32
    %dma_start3A_15 = tpu.memref_slice %arg3[%dma_start3A_13, %dma_start3A_14] : memref<100000x128xf32, #tpu.memory_space<hbm>> -> memref<100000x128xf32, #tpu.memory_space<hbm>>
    tpu.enqueue_indirect_dma source(%dma_start3A_15 : memref<100000x128xf32, #tpu.memory_space<hbm>>) target(%arg7 : memref<128x128xf32, #tpu.memory_space<vmem>>) offsets(%dma_start3A_12 : memref<128xi32, #tpu.memory_space<vmem>>) semaphore(%arg13 : memref<!tpu.dma_semaphore, #tpu.memory_space<semaphore_mem>>)
    %dma_start3A_16 = arith.constant 2 : i32
    %dma_start3A_17 = arith.constant 0 : i32
    %dma_start3A_18 = tpu.memref_slice %arg5[%dma_start3A_16, %dma_start3A_17] : memref<26x128xi32, #tpu.memory_space<vmem>> -> memref<1x128xi32, #tpu.memory_space<vmem>>
    %dma_start3A_19 = tpu.memref_squeeze %dma_start3A_18 : memref<1x128xi32, #tpu.memory_space<vmem>> -> memref<128xi32, #tpu.memory_space<vmem>>
    %dma_start3A_20 = arith.constant 0 : i32
    %dma_start3A_21 = arith.constant 0 : i32
    %dma_start3A_22 = tpu.memref_slice %arg3[%dma_start3A_20, %dma_start3A_21] : memref<100000x128xf32, #tpu.memory_space<hbm>> -> memref<100000x128xf32, #tpu.memory_space<hbm>>
    tpu.enqueue_indirect_dma source(%dma_start3A_22 : memref<100000x128xf32, #tpu.memory_space<hbm>>) target(%arg8 : memref<128x128xf32, #tpu.memory_space<vmem>>) offsets(%dma_start3A_19 : memref<128xi32, #tpu.memory_space<vmem>>) semaphore(%arg14 : memref<!tpu.dma_semaphore, #tpu.memory_space<semaphore_mem>>)
    %dma_start3A_23 = arith.constant 3 : i32
    %dma_start3A_24 = arith.constant 0 : i32
    %dma_start3A_25 = tpu.memref_slice %arg5[%dma_start3A_23, %dma_start3A_24] : memref<26x128xi32, #tpu.memory_space<vmem>> -> memref<1x128xi32, #tpu.memory_space<vmem>>
    %dma_start3A_26 = tpu.memref_squeeze %dma_start3A_25 : memref<1x128xi32, #tpu.memory_space<vmem>> -> memref<128xi32, #tpu.memory_space<vmem>>
    %dma_start3A_27 = arith.constant 0 : i32
    %dma_start3A_28 = arith.constant 0 : i32
    %dma_start3A_29 = tpu.memref_slice %arg3[%dma_start3A_27, %dma_start3A_28] : memref<100000x128xf32, #tpu.memory_space<hbm>> -> memref<100000x128xf32, #tpu.memory_space<hbm>>
    tpu.enqueue_indirect_dma source(%dma_start3A_29 : memref<100000x128xf32, #tpu.memory_space<hbm>>) target(%arg9 : memref<128x128xf32, #tpu.memory_space<vmem>>) offsets(%dma_start3A_26 : memref<128xi32, #tpu.memory_space<vmem>>) semaphore(%arg15 : memref<!tpu.dma_semaphore, #tpu.memory_space<semaphore_mem>>)
    %dma_start3A_30 = arith.constant 4 : i32
    %dma_start3A_31 = arith.constant 0 : i32
    %dma_start3A_32 = tpu.memref_slice %arg5[%dma_start3A_30, %dma_start3A_31] : memref<26x128xi32, #tpu.memory_space<vmem>> -> memref<1x128xi32, #tpu.memory_space<vmem>>
    %dma_start3A_33 = tpu.memref_squeeze %dma_start3A_32 : memref<1x128xi32, #tpu.memory_space<vmem>> -> memref<128xi32, #tpu.memory_space<vmem>>
    %dma_start3A_34 = arith.constant 0 : i32
    %dma_start3A_35 = arith.constant 0 : i32
    %dma_start3A_36 = tpu.memref_slice %arg3[%dma_start3A_34, %dma_start3A_35] : memref<100000x128xf32, #tpu.memory_space<hbm>> -> memref<100000x128xf32, #tpu.memory_space<hbm>>
    tpu.enqueue_indirect_dma source(%dma_start3A_36 : memref<100000x128xf32, #tpu.memory_space<hbm>>) target(%arg10 : memref<128x128xf32, #tpu.memory_space<vmem>>) offsets(%dma_start3A_33 : memref<128xi32, #tpu.memory_space<vmem>>) semaphore(%arg16 : memref<!tpu.dma_semaphore, #tpu.memory_space<semaphore_mem>>)
    %scan3A = arith.constant 0 : i32
    %scan3A_37 = arith.constant 0 : i32
    %scan3A_38 = arith.constant 4 : i32
    %scan3A_39 = arith.addi %scan3A_37, %scan3A_38 : i32
    %scan3A_40 = arith.constant 1 : i32
    scf.for %scan3A_103 = %scan3A_37 to %scan3A_39 step %scan3A_40  : i32 {
      %mul3A_104 = arith.constant 6 : i32
      %mul3A_105 = arith.muli %mul3A_104, %scan3A_103 : i32
      %add3A_106 = arith.constant 0 : i32
      %add3A_107 = arith.addi %mul3A_105, %add3A_106 : i32
      %add3A_108 = arith.constant 6 : i32
      %add3A_109 = arith.addi %add3A_107, %add3A_108 : i32
      %sub3A = arith.constant 1 : i32
      %sub3A_110 = arith.subi %add3A_109, %sub3A : i32
      %dma_wait3A_111 = arith.constant 0 : i32
      %dma_wait3A_112 = tpu.memref_slice %arg5[%add3A_107, %dma_wait3A_111] : memref<26x128xi32, #tpu.memory_space<vmem>> -> memref<1x128xi32, #tpu.memory_space<vmem>>
      %dma_wait3A_113 = tpu.memref_squeeze %dma_wait3A_112 : memref<1x128xi32, #tpu.memory_space<vmem>> -> memref<128xi32, #tpu.memory_space<vmem>>
      %dma_wait3A_114 = arith.constant 0 : i32
      %dma_wait3A_115 = arith.constant 0 : i32
      %dma_wait3A_116 = tpu.memref_slice %arg3[%dma_wait3A_114, %dma_wait3A_115] : memref<100000x128xf32, #tpu.memory_space<hbm>> -> memref<100000x128xf32, #tpu.memory_space<hbm>>
      tpu.wait_indirect_dma semaphore(%arg12 : memref<!tpu.dma_semaphore, #tpu.memory_space<semaphore_mem>>) src(%dma_wait3A_116 : memref<100000x128xf32, #tpu.memory_space<hbm>>) dst(%arg6 : memref<128x128xf32, #tpu.memory_space<vmem>>)
      %mul3A_117 = arith.constant 4096 : i32
      %mul3A_118 = arith.muli %add3A_107, %mul3A_117 : i32
      %add3A_119 = arith.addi %mul3A_118, %mul3A_2 : i32
      %dma_start3A_120 = arith.constant 0 : i32
      %dma_start3A_121 = tpu.memref_slice %arg4[%add3A_119, %dma_start3A_120] : memref<106496x128xf32, #tpu.memory_space<hbm>> -> memref<128x128xf32, #tpu.memory_space<hbm>>
      %dma_start3A_122 = arith.constant 0 : i32
      %dma_start3A_123 = tpu.memref_slice %arg4[%add3A_119, %dma_start3A_122] : memref<106496x128xf32, #tpu.memory_space<hbm>> -> memref<128x128xf32, #tpu.memory_space<hbm>>
      tpu.enqueue_dma source(%arg6 : memref<128x128xf32, #tpu.memory_space<vmem>>) target(%dma_start3A_123 : memref<128x128xf32, #tpu.memory_space<hbm>>) target_semaphore(%arg18 : memref<!tpu.dma_semaphore, #tpu.memory_space<semaphore_mem>>)
      %gt3A = arith.constant 0 : i32
      %gt3A_124 = arith.cmpi sgt, %scan3A_103, %gt3A : i32
      %convert_element_type3A = arith.extui %gt3A_124 : i1 to i32
      %cond3A = arith.constant 0 : i32
      %cond3A_125 = arith.cmpi ne, %convert_element_type3A, %cond3A : i32
      scf.if %cond3A_125 {
        %sub3A_261 = arith.constant 1 : i32
        %sub3A_262 = arith.subi %add3A_107, %sub3A_261 : i32
        %mul3A_263 = arith.constant 4096 : i32
        %mul3A_264 = arith.muli %sub3A_262, %mul3A_263 : i32
        %add3A_265 = arith.addi %mul3A_264, %mul3A_2 : i32
        %dma_wait3A_266 = arith.constant 0 : i32
        %dma_wait3A_267 = tpu.memref_slice %arg4[%add3A_265, %dma_wait3A_266] : memref<106496x128xf32, #tpu.memory_space<hbm>> -> memref<128x128xf32, #tpu.memory_space<hbm>>
        %dma_wait3A_268 = arith.constant 0 : i32
        %dma_wait3A_269 = tpu.memref_slice %arg4[%add3A_265, %dma_wait3A_268] : memref<106496x128xf32, #tpu.memory_space<hbm>> -> memref<128x128xf32, #tpu.memory_space<hbm>>
        tpu.wait_dma2 semaphore(%arg23 : memref<!tpu.dma_semaphore, #tpu.memory_space<semaphore_mem>>) src(%arg11 : memref<128x128xf32, #tpu.memory_space<vmem>>) dst(%dma_wait3A_269 : memref<128x128xf32, #tpu.memory_space<hbm>>)
      } else {
      }
      %dma_start3A_126 = arith.constant 0 : i32
      %dma_start3A_127 = tpu.memref_slice %arg5[%sub3A_110, %dma_start3A_126] : memref<26x128xi32, #tpu.memory_space<vmem>> -> memref<1x128xi32, #tpu.memory_space<vmem>>
      %dma_start3A_128 = tpu.memref_squeeze %dma_start3A_127 : memref<1x128xi32, #tpu.memory_space<vmem>> -> memref<128xi32, #tpu.memory_space<vmem>>
      %dma_start3A_129 = arith.constant 0 : i32
      %dma_start3A_130 = arith.constant 0 : i32
      %dma_start3A_131 = tpu.memref_slice %arg3[%dma_start3A_129, %dma_start3A_130] : memref<100000x128xf32, #tpu.memory_space<hbm>> -> memref<100000x128xf32, #tpu.memory_space<hbm>>
      tpu.enqueue_indirect_dma source(%dma_start3A_131 : memref<100000x128xf32, #tpu.memory_space<hbm>>) target(%arg11 : memref<128x128xf32, #tpu.memory_space<vmem>>) offsets(%dma_start3A_128 : memref<128xi32, #tpu.memory_space<vmem>>) semaphore(%arg17 : memref<!tpu.dma_semaphore, #tpu.memory_space<semaphore_mem>>)
      %mul3A_132 = arith.constant 6 : i32
      %mul3A_133 = arith.muli %mul3A_132, %scan3A_103 : i32
      %add3A_134 = arith.constant 1 : i32
      %add3A_135 = arith.addi %mul3A_133, %add3A_134 : i32
      %add3A_136 = arith.constant 6 : i32
      %add3A_137 = arith.addi %add3A_135, %add3A_136 : i32
      %sub3A_138 = arith.constant 1 : i32
      %sub3A_139 = arith.subi %add3A_137, %sub3A_138 : i32
      %dma_wait3A_140 = arith.constant 0 : i32
      %dma_wait3A_141 = tpu.memref_slice %arg5[%add3A_135, %dma_wait3A_140] : memref<26x128xi32, #tpu.memory_space<vmem>> -> memref<1x128xi32, #tpu.memory_space<vmem>>
      %dma_wait3A_142 = tpu.memref_squeeze %dma_wait3A_141 : memref<1x128xi32, #tpu.memory_space<vmem>> -> memref<128xi32, #tpu.memory_space<vmem>>
      %dma_wait3A_143 = arith.constant 0 : i32
      %dma_wait3A_144 = arith.constant 0 : i32
      %dma_wait3A_145 = tpu.memref_slice %arg3[%dma_wait3A_143, %dma_wait3A_144] : memref<100000x128xf32, #tpu.memory_space<hbm>> -> memref<100000x128xf32, #tpu.memory_space<hbm>>
      tpu.wait_indirect_dma semaphore(%arg13 : memref<!tpu.dma_semaphore, #tpu.memory_space<semaphore_mem>>) src(%dma_wait3A_145 : memref<100000x128xf32, #tpu.memory_space<hbm>>) dst(%arg7 : memref<128x128xf32, #tpu.memory_space<vmem>>)
      %mul3A_146 = arith.constant 4096 : i32
      %mul3A_147 = arith.muli %add3A_135, %mul3A_146 : i32
      %add3A_148 = arith.addi %mul3A_147, %mul3A_2 : i32
      %dma_start3A_149 = arith.constant 0 : i32
      %dma_start3A_150 = tpu.memref_slice %arg4[%add3A_148, %dma_start3A_149] : memref<106496x128xf32, #tpu.memory_space<hbm>> -> memref<128x128xf32, #tpu.memory_space<hbm>>
      %dma_start3A_151 = arith.constant 0 : i32
      %dma_start3A_152 = tpu.memref_slice %arg4[%add3A_148, %dma_start3A_151] : memref<106496x128xf32, #tpu.memory_space<hbm>> -> memref<128x128xf32, #tpu.memory_space<hbm>>
      tpu.enqueue_dma source(%arg7 : memref<128x128xf32, #tpu.memory_space<vmem>>) target(%dma_start3A_152 : memref<128x128xf32, #tpu.memory_space<hbm>>) target_semaphore(%arg19 : memref<!tpu.dma_semaphore, #tpu.memory_space<semaphore_mem>>)
      %lt3A = arith.constant 26 : i32
      %lt3A_153 = arith.cmpi slt, %sub3A_139, %lt3A : i32
      %convert_element_type3A_154 = arith.extui %lt3A_153 : i1 to i32
      %cond3A_155 = arith.constant 0 : i32
      %cond3A_156 = arith.cmpi ne, %convert_element_type3A_154, %cond3A_155 : i32
      scf.if %cond3A_156 {
        %sub3A_261 = arith.constant 1 : i32
        %sub3A_262 = arith.subi %add3A_135, %sub3A_261 : i32
        %mul3A_263 = arith.constant 4096 : i32
        %mul3A_264 = arith.muli %sub3A_262, %mul3A_263 : i32
        %add3A_265 = arith.addi %mul3A_264, %mul3A_2 : i32
        %dma_wait3A_266 = arith.constant 0 : i32
        %dma_wait3A_267 = tpu.memref_slice %arg4[%add3A_265, %dma_wait3A_266] : memref<106496x128xf32, #tpu.memory_space<hbm>> -> memref<128x128xf32, #tpu.memory_space<hbm>>
        %dma_wait3A_268 = arith.constant 0 : i32
        %dma_wait3A_269 = tpu.memref_slice %arg4[%add3A_265, %dma_wait3A_268] : memref<106496x128xf32, #tpu.memory_space<hbm>> -> memref<128x128xf32, #tpu.memory_space<hbm>>
        tpu.wait_dma2 semaphore(%arg18 : memref<!tpu.dma_semaphore, #tpu.memory_space<semaphore_mem>>) src(%arg6 : memref<128x128xf32, #tpu.memory_space<vmem>>) dst(%dma_wait3A_269 : memref<128x128xf32, #tpu.memory_space<hbm>>)
        %dma_start3A_270 = arith.constant 0 : i32
        %dma_start3A_271 = tpu.memref_slice %arg5[%sub3A_139, %dma_start3A_270] : memref<26x128xi32, #tpu.memory_space<vmem>> -> memref<1x128xi32, #tpu.memory_space<vmem>>
        %dma_start3A_272 = tpu.memref_squeeze %dma_start3A_271 : memref<1x128xi32, #tpu.memory_space<vmem>> -> memref<128xi32, #tpu.memory_space<vmem>>
        %dma_start3A_273 = arith.constant 0 : i32
        %dma_start3A_274 = arith.constant 0 : i32
        %dma_start3A_275 = tpu.memref_slice %arg3[%dma_start3A_273, %dma_start3A_274] : memref<100000x128xf32, #tpu.memory_space<hbm>> -> memref<100000x128xf32, #tpu.memory_space<hbm>>
        tpu.enqueue_indirect_dma source(%dma_start3A_275 : memref<100000x128xf32, #tpu.memory_space<hbm>>) target(%arg6 : memref<128x128xf32, #tpu.memory_space<vmem>>) offsets(%dma_start3A_272 : memref<128xi32, #tpu.memory_space<vmem>>) semaphore(%arg12 : memref<!tpu.dma_semaphore, #tpu.memory_space<semaphore_mem>>)
      } else {
      }
      %mul3A_157 = arith.constant 6 : i32
      %mul3A_158 = arith.muli %mul3A_157, %scan3A_103 : i32
      %add3A_159 = arith.constant 2 : i32
      %add3A_160 = arith.addi %mul3A_158, %add3A_159 : i32
      %add3A_161 = arith.constant 6 : i32
      %add3A_162 = arith.addi %add3A_160, %add3A_161 : i32
      %sub3A_163 = arith.constant 1 : i32
      %sub3A_164 = arith.subi %add3A_162, %sub3A_163 : i32
      %dma_wait3A_165 = arith.constant 0 : i32
      %dma_wait3A_166 = tpu.memref_slice %arg5[%add3A_160, %dma_wait3A_165] : memref<26x128xi32, #tpu.memory_space<vmem>> -> memref<1x128xi32, #tpu.memory_space<vmem>>
      %dma_wait3A_167 = tpu.memref_squeeze %dma_wait3A_166 : memref<1x128xi32, #tpu.memory_space<vmem>> -> memref<128xi32, #tpu.memory_space<vmem>>
      %dma_wait3A_168 = arith.constant 0 : i32
      %dma_wait3A_169 = arith.constant 0 : i32
      %dma_wait3A_170 = tpu.memref_slice %arg3[%dma_wait3A_168, %dma_wait3A_169] : memref<100000x128xf32, #tpu.memory_space<hbm>> -> memref<100000x128xf32, #tpu.memory_space<hbm>>
      tpu.wait_indirect_dma semaphore(%arg14 : memref<!tpu.dma_semaphore, #tpu.memory_space<semaphore_mem>>) src(%dma_wait3A_170 : memref<100000x128xf32, #tpu.memory_space<hbm>>) dst(%arg8 : memref<128x128xf32, #tpu.memory_space<vmem>>)
      %mul3A_171 = arith.constant 4096 : i32
      %mul3A_172 = arith.muli %add3A_160, %mul3A_171 : i32
      %add3A_173 = arith.addi %mul3A_172, %mul3A_2 : i32
      %dma_start3A_174 = arith.constant 0 : i32
      %dma_start3A_175 = tpu.memref_slice %arg4[%add3A_173, %dma_start3A_174] : memref<106496x128xf32, #tpu.memory_space<hbm>> -> memref<128x128xf32, #tpu.memory_space<hbm>>
      %dma_start3A_176 = arith.constant 0 : i32
      %dma_start3A_177 = tpu.memref_slice %arg4[%add3A_173, %dma_start3A_176] : memref<106496x128xf32, #tpu.memory_space<hbm>> -> memref<128x128xf32, #tpu.memory_space<hbm>>
      tpu.enqueue_dma source(%arg8 : memref<128x128xf32, #tpu.memory_space<vmem>>) target(%dma_start3A_177 : memref<128x128xf32, #tpu.memory_space<hbm>>) target_semaphore(%arg20 : memref<!tpu.dma_semaphore, #tpu.memory_space<semaphore_mem>>)
      %lt3A_178 = arith.constant 26 : i32
      %lt3A_179 = arith.cmpi slt, %sub3A_164, %lt3A_178 : i32
      %convert_element_type3A_180 = arith.extui %lt3A_179 : i1 to i32
      %cond3A_181 = arith.constant 0 : i32
      %cond3A_182 = arith.cmpi ne, %convert_element_type3A_180, %cond3A_181 : i32
      scf.if %cond3A_182 {
        %sub3A_261 = arith.constant 1 : i32
        %sub3A_262 = arith.subi %add3A_160, %sub3A_261 : i32
        %mul3A_263 = arith.constant 4096 : i32
        %mul3A_264 = arith.muli %sub3A_262, %mul3A_263 : i32
        %add3A_265 = arith.addi %mul3A_264, %mul3A_2 : i32
        %dma_wait3A_266 = arith.constant 0 : i32
        %dma_wait3A_267 = tpu.memref_slice %arg4[%add3A_265, %dma_wait3A_266] : memref<106496x128xf32, #tpu.memory_space<hbm>> -> memref<128x128xf32, #tpu.memory_space<hbm>>
        %dma_wait3A_268 = arith.constant 0 : i32
        %dma_wait3A_269 = tpu.memref_slice %arg4[%add3A_265, %dma_wait3A_268] : memref<106496x128xf32, #tpu.memory_space<hbm>> -> memref<128x128xf32, #tpu.memory_space<hbm>>
        tpu.wait_dma2 semaphore(%arg19 : memref<!tpu.dma_semaphore, #tpu.memory_space<semaphore_mem>>) src(%arg7 : memref<128x128xf32, #tpu.memory_space<vmem>>) dst(%dma_wait3A_269 : memref<128x128xf32, #tpu.memory_space<hbm>>)
        %dma_start3A_270 = arith.constant 0 : i32
        %dma_start3A_271 = tpu.memref_slice %arg5[%sub3A_164, %dma_start3A_270] : memref<26x128xi32, #tpu.memory_space<vmem>> -> memref<1x128xi32, #tpu.memory_space<vmem>>
        %dma_start3A_272 = tpu.memref_squeeze %dma_start3A_271 : memref<1x128xi32, #tpu.memory_space<vmem>> -> memref<128xi32, #tpu.memory_space<vmem>>
        %dma_start3A_273 = arith.constant 0 : i32
        %dma_start3A_274 = arith.constant 0 : i32
        %dma_start3A_275 = tpu.memref_slice %arg3[%dma_start3A_273, %dma_start3A_274] : memref<100000x128xf32, #tpu.memory_space<hbm>> -> memref<100000x128xf32, #tpu.memory_space<hbm>>
        tpu.enqueue_indirect_dma source(%dma_start3A_275 : memref<100000x128xf32, #tpu.memory_space<hbm>>) target(%arg7 : memref<128x128xf32, #tpu.memory_space<vmem>>) offsets(%dma_start3A_272 : memref<128xi32, #tpu.memory_space<vmem>>) semaphore(%arg13 : memref<!tpu.dma_semaphore, #tpu.memory_space<semaphore_mem>>)
      } else {
      }
      %mul3A_183 = arith.constant 6 : i32
      %mul3A_184 = arith.muli %mul3A_183, %scan3A_103 : i32
      %add3A_185 = arith.constant 3 : i32
      %add3A_186 = arith.addi %mul3A_184, %add3A_185 : i32
      %add3A_187 = arith.constant 6 : i32
      %add3A_188 = arith.addi %add3A_186, %add3A_187 : i32
      %sub3A_189 = arith.constant 1 : i32
      %sub3A_190 = arith.subi %add3A_188, %sub3A_189 : i32
      %dma_wait3A_191 = arith.constant 0 : i32
      %dma_wait3A_192 = tpu.memref_slice %arg5[%add3A_186, %dma_wait3A_191] : memref<26x128xi32, #tpu.memory_space<vmem>> -> memref<1x128xi32, #tpu.memory_space<vmem>>
      %dma_wait3A_193 = tpu.memref_squeeze %dma_wait3A_192 : memref<1x128xi32, #tpu.memory_space<vmem>> -> memref<128xi32, #tpu.memory_space<vmem>>
      %dma_wait3A_194 = arith.constant 0 : i32
      %dma_wait3A_195 = arith.constant 0 : i32
      %dma_wait3A_196 = tpu.memref_slice %arg3[%dma_wait3A_194, %dma_wait3A_195] : memref<100000x128xf32, #tpu.memory_space<hbm>> -> memref<100000x128xf32, #tpu.memory_space<hbm>>
      tpu.wait_indirect_dma semaphore(%arg15 : memref<!tpu.dma_semaphore, #tpu.memory_space<semaphore_mem>>) src(%dma_wait3A_196 : memref<100000x128xf32, #tpu.memory_space<hbm>>) dst(%arg9 : memref<128x128xf32, #tpu.memory_space<vmem>>)
      %mul3A_197 = arith.constant 4096 : i32
      %mul3A_198 = arith.muli %add3A_186, %mul3A_197 : i32
      %add3A_199 = arith.addi %mul3A_198, %mul3A_2 : i32
      %dma_start3A_200 = arith.constant 0 : i32
      %dma_start3A_201 = tpu.memref_slice %arg4[%add3A_199, %dma_start3A_200] : memref<106496x128xf32, #tpu.memory_space<hbm>> -> memref<128x128xf32, #tpu.memory_space<hbm>>
      %dma_start3A_202 = arith.constant 0 : i32
      %dma_start3A_203 = tpu.memref_slice %arg4[%add3A_199, %dma_start3A_202] : memref<106496x128xf32, #tpu.memory_space<hbm>> -> memref<128x128xf32, #tpu.memory_space<hbm>>
      tpu.enqueue_dma source(%arg9 : memref<128x128xf32, #tpu.memory_space<vmem>>) target(%dma_start3A_203 : memref<128x128xf32, #tpu.memory_space<hbm>>) target_semaphore(%arg21 : memref<!tpu.dma_semaphore, #tpu.memory_space<semaphore_mem>>)
      %lt3A_204 = arith.constant 26 : i32
      %lt3A_205 = arith.cmpi slt, %sub3A_190, %lt3A_204 : i32
      %convert_element_type3A_206 = arith.extui %lt3A_205 : i1 to i32
      %cond3A_207 = arith.constant 0 : i32
      %cond3A_208 = arith.cmpi ne, %convert_element_type3A_206, %cond3A_207 : i32
      scf.if %cond3A_208 {
        %sub3A_261 = arith.constant 1 : i32
        %sub3A_262 = arith.subi %add3A_186, %sub3A_261 : i32
        %mul3A_263 = arith.constant 4096 : i32
        %mul3A_264 = arith.muli %sub3A_262, %mul3A_263 : i32
        %add3A_265 = arith.addi %mul3A_264, %mul3A_2 : i32
        %dma_wait3A_266 = arith.constant 0 : i32
        %dma_wait3A_267 = tpu.memref_slice %arg4[%add3A_265, %dma_wait3A_266] : memref<106496x128xf32, #tpu.memory_space<hbm>> -> memref<128x128xf32, #tpu.memory_space<hbm>>
        %dma_wait3A_268 = arith.constant 0 : i32
        %dma_wait3A_269 = tpu.memref_slice %arg4[%add3A_265, %dma_wait3A_268] : memref<106496x128xf32, #tpu.memory_space<hbm>> -> memref<128x128xf32, #tpu.memory_space<hbm>>
        tpu.wait_dma2 semaphore(%arg20 : memref<!tpu.dma_semaphore, #tpu.memory_space<semaphore_mem>>) src(%arg8 : memref<128x128xf32, #tpu.memory_space<vmem>>) dst(%dma_wait3A_269 : memref<128x128xf32, #tpu.memory_space<hbm>>)
        %dma_start3A_270 = arith.constant 0 : i32
        %dma_start3A_271 = tpu.memref_slice %arg5[%sub3A_190, %dma_start3A_270] : memref<26x128xi32, #tpu.memory_space<vmem>> -> memref<1x128xi32, #tpu.memory_space<vmem>>
        %dma_start3A_272 = tpu.memref_squeeze %dma_start3A_271 : memref<1x128xi32, #tpu.memory_space<vmem>> -> memref<128xi32, #tpu.memory_space<vmem>>
        %dma_start3A_273 = arith.constant 0 : i32
        %dma_start3A_274 = arith.constant 0 : i32
        %dma_start3A_275 = tpu.memref_slice %arg3[%dma_start3A_273, %dma_start3A_274] : memref<100000x128xf32, #tpu.memory_space<hbm>> -> memref<100000x128xf32, #tpu.memory_space<hbm>>
        tpu.enqueue_indirect_dma source(%dma_start3A_275 : memref<100000x128xf32, #tpu.memory_space<hbm>>) target(%arg8 : memref<128x128xf32, #tpu.memory_space<vmem>>) offsets(%dma_start3A_272 : memref<128xi32, #tpu.memory_space<vmem>>) semaphore(%arg14 : memref<!tpu.dma_semaphore, #tpu.memory_space<semaphore_mem>>)
      } else {
      }
      %mul3A_209 = arith.constant 6 : i32
      %mul3A_210 = arith.muli %mul3A_209, %scan3A_103 : i32
      %add3A_211 = arith.constant 4 : i32
      %add3A_212 = arith.addi %mul3A_210, %add3A_211 : i32
      %add3A_213 = arith.constant 6 : i32
      %add3A_214 = arith.addi %add3A_212, %add3A_213 : i32
      %sub3A_215 = arith.constant 1 : i32
      %sub3A_216 = arith.subi %add3A_214, %sub3A_215 : i32
      %dma_wait3A_217 = arith.constant 0 : i32
      %dma_wait3A_218 = tpu.memref_slice %arg5[%add3A_212, %dma_wait3A_217] : memref<26x128xi32, #tpu.memory_space<vmem>> -> memref<1x128xi32, #tpu.memory_space<vmem>>
      %dma_wait3A_219 = tpu.memref_squeeze %dma_wait3A_218 : memref<1x128xi32, #tpu.memory_space<vmem>> -> memref<128xi32, #tpu.memory_space<vmem>>
      %dma_wait3A_220 = arith.constant 0 : i32
      %dma_wait3A_221 = arith.constant 0 : i32
      %dma_wait3A_222 = tpu.memref_slice %arg3[%dma_wait3A_220, %dma_wait3A_221] : memref<100000x128xf32, #tpu.memory_space<hbm>> -> memref<100000x128xf32, #tpu.memory_space<hbm>>
      tpu.wait_indirect_dma semaphore(%arg16 : memref<!tpu.dma_semaphore, #tpu.memory_space<semaphore_mem>>) src(%dma_wait3A_222 : memref<100000x128xf32, #tpu.memory_space<hbm>>) dst(%arg10 : memref<128x128xf32, #tpu.memory_space<vmem>>)
      %mul3A_223 = arith.constant 4096 : i32
      %mul3A_224 = arith.muli %add3A_212, %mul3A_223 : i32
      %add3A_225 = arith.addi %mul3A_224, %mul3A_2 : i32
      %dma_start3A_226 = arith.constant 0 : i32
      %dma_start3A_227 = tpu.memref_slice %arg4[%add3A_225, %dma_start3A_226] : memref<106496x128xf32, #tpu.memory_space<hbm>> -> memref<128x128xf32, #tpu.memory_space<hbm>>
      %dma_start3A_228 = arith.constant 0 : i32
      %dma_start3A_229 = tpu.memref_slice %arg4[%add3A_225, %dma_start3A_228] : memref<106496x128xf32, #tpu.memory_space<hbm>> -> memref<128x128xf32, #tpu.memory_space<hbm>>
      tpu.enqueue_dma source(%arg10 : memref<128x128xf32, #tpu.memory_space<vmem>>) target(%dma_start3A_229 : memref<128x128xf32, #tpu.memory_space<hbm>>) target_semaphore(%arg22 : memref<!tpu.dma_semaphore, #tpu.memory_space<semaphore_mem>>)
      %lt3A_230 = arith.constant 26 : i32
      %lt3A_231 = arith.cmpi slt, %sub3A_216, %lt3A_230 : i32
      %convert_element_type3A_232 = arith.extui %lt3A_231 : i1 to i32
      %cond3A_233 = arith.constant 0 : i32
      %cond3A_234 = arith.cmpi ne, %convert_element_type3A_232, %cond3A_233 : i32
      scf.if %cond3A_234 {
        %sub3A_261 = arith.constant 1 : i32
        %sub3A_262 = arith.subi %add3A_212, %sub3A_261 : i32
        %mul3A_263 = arith.constant 4096 : i32
        %mul3A_264 = arith.muli %sub3A_262, %mul3A_263 : i32
        %add3A_265 = arith.addi %mul3A_264, %mul3A_2 : i32
        %dma_wait3A_266 = arith.constant 0 : i32
        %dma_wait3A_267 = tpu.memref_slice %arg4[%add3A_265, %dma_wait3A_266] : memref<106496x128xf32, #tpu.memory_space<hbm>> -> memref<128x128xf32, #tpu.memory_space<hbm>>
        %dma_wait3A_268 = arith.constant 0 : i32
        %dma_wait3A_269 = tpu.memref_slice %arg4[%add3A_265, %dma_wait3A_268] : memref<106496x128xf32, #tpu.memory_space<hbm>> -> memref<128x128xf32, #tpu.memory_space<hbm>>
        tpu.wait_dma2 semaphore(%arg21 : memref<!tpu.dma_semaphore, #tpu.memory_space<semaphore_mem>>) src(%arg9 : memref<128x128xf32, #tpu.memory_space<vmem>>) dst(%dma_wait3A_269 : memref<128x128xf32, #tpu.memory_space<hbm>>)
        %dma_start3A_270 = arith.constant 0 : i32
        %dma_start3A_271 = tpu.memref_slice %arg5[%sub3A_216, %dma_start3A_270] : memref<26x128xi32, #tpu.memory_space<vmem>> -> memref<1x128xi32, #tpu.memory_space<vmem>>
        %dma_start3A_272 = tpu.memref_squeeze %dma_start3A_271 : memref<1x128xi32, #tpu.memory_space<vmem>> -> memref<128xi32, #tpu.memory_space<vmem>>
        %dma_start3A_273 = arith.constant 0 : i32
        %dma_start3A_274 = arith.constant 0 : i32
        %dma_start3A_275 = tpu.memref_slice %arg3[%dma_start3A_273, %dma_start3A_274] : memref<100000x128xf32, #tpu.memory_space<hbm>> -> memref<100000x128xf32, #tpu.memory_space<hbm>>
        tpu.enqueue_indirect_dma source(%dma_start3A_275 : memref<100000x128xf32, #tpu.memory_space<hbm>>) target(%arg9 : memref<128x128xf32, #tpu.memory_space<vmem>>) offsets(%dma_start3A_272 : memref<128xi32, #tpu.memory_space<vmem>>) semaphore(%arg15 : memref<!tpu.dma_semaphore, #tpu.memory_space<semaphore_mem>>)
      } else {
      }
      %mul3A_235 = arith.constant 6 : i32
      %mul3A_236 = arith.muli %mul3A_235, %scan3A_103 : i32
      %add3A_237 = arith.constant 5 : i32
      %add3A_238 = arith.addi %mul3A_236, %add3A_237 : i32
      %add3A_239 = arith.constant 6 : i32
      %add3A_240 = arith.addi %add3A_238, %add3A_239 : i32
      %sub3A_241 = arith.constant 1 : i32
      %sub3A_242 = arith.subi %add3A_240, %sub3A_241 : i32
      %dma_wait3A_243 = arith.constant 0 : i32
      %dma_wait3A_244 = tpu.memref_slice %arg5[%add3A_238, %dma_wait3A_243] : memref<26x128xi32, #tpu.memory_space<vmem>> -> memref<1x128xi32, #tpu.memory_space<vmem>>
      %dma_wait3A_245 = tpu.memref_squeeze %dma_wait3A_244 : memref<1x128xi32, #tpu.memory_space<vmem>> -> memref<128xi32, #tpu.memory_space<vmem>>
      %dma_wait3A_246 = arith.constant 0 : i32
      %dma_wait3A_247 = arith.constant 0 : i32
      %dma_wait3A_248 = tpu.memref_slice %arg3[%dma_wait3A_246, %dma_wait3A_247] : memref<100000x128xf32, #tpu.memory_space<hbm>> -> memref<100000x128xf32, #tpu.memory_space<hbm>>
      tpu.wait_indirect_dma semaphore(%arg17 : memref<!tpu.dma_semaphore, #tpu.memory_space<semaphore_mem>>) src(%dma_wait3A_248 : memref<100000x128xf32, #tpu.memory_space<hbm>>) dst(%arg11 : memref<128x128xf32, #tpu.memory_space<vmem>>)
      %mul3A_249 = arith.constant 4096 : i32
      %mul3A_250 = arith.muli %add3A_238, %mul3A_249 : i32
      %add3A_251 = arith.addi %mul3A_250, %mul3A_2 : i32
      %dma_start3A_252 = arith.constant 0 : i32
      %dma_start3A_253 = tpu.memref_slice %arg4[%add3A_251, %dma_start3A_252] : memref<106496x128xf32, #tpu.memory_space<hbm>> -> memref<128x128xf32, #tpu.memory_space<hbm>>
      %dma_start3A_254 = arith.constant 0 : i32
      %dma_start3A_255 = tpu.memref_slice %arg4[%add3A_251, %dma_start3A_254] : memref<106496x128xf32, #tpu.memory_space<hbm>> -> memref<128x128xf32, #tpu.memory_space<hbm>>
      tpu.enqueue_dma source(%arg11 : memref<128x128xf32, #tpu.memory_space<vmem>>) target(%dma_start3A_255 : memref<128x128xf32, #tpu.memory_space<hbm>>) target_semaphore(%arg23 : memref<!tpu.dma_semaphore, #tpu.memory_space<semaphore_mem>>)
      %lt3A_256 = arith.constant 26 : i32
      %lt3A_257 = arith.cmpi slt, %sub3A_242, %lt3A_256 : i32
      %convert_element_type3A_258 = arith.extui %lt3A_257 : i1 to i32
      %cond3A_259 = arith.constant 0 : i32
      %cond3A_260 = arith.cmpi ne, %convert_element_type3A_258, %cond3A_259 : i32
      scf.if %cond3A_260 {
        %sub3A_261 = arith.constant 1 : i32
        %sub3A_262 = arith.subi %add3A_238, %sub3A_261 : i32
        %mul3A_263 = arith.constant 4096 : i32
        %mul3A_264 = arith.muli %sub3A_262, %mul3A_263 : i32
        %add3A_265 = arith.addi %mul3A_264, %mul3A_2 : i32
        %dma_wait3A_266 = arith.constant 0 : i32
        %dma_wait3A_267 = tpu.memref_slice %arg4[%add3A_265, %dma_wait3A_266] : memref<106496x128xf32, #tpu.memory_space<hbm>> -> memref<128x128xf32, #tpu.memory_space<hbm>>
        %dma_wait3A_268 = arith.constant 0 : i32
        %dma_wait3A_269 = tpu.memref_slice %arg4[%add3A_265, %dma_wait3A_268] : memref<106496x128xf32, #tpu.memory_space<hbm>> -> memref<128x128xf32, #tpu.memory_space<hbm>>
        tpu.wait_dma2 semaphore(%arg22 : memref<!tpu.dma_semaphore, #tpu.memory_space<semaphore_mem>>) src(%arg10 : memref<128x128xf32, #tpu.memory_space<vmem>>) dst(%dma_wait3A_269 : memref<128x128xf32, #tpu.memory_space<hbm>>)
        %dma_start3A_270 = arith.constant 0 : i32
        %dma_start3A_271 = tpu.memref_slice %arg5[%sub3A_242, %dma_start3A_270] : memref<26x128xi32, #tpu.memory_space<vmem>> -> memref<1x128xi32, #tpu.memory_space<vmem>>
        %dma_start3A_272 = tpu.memref_squeeze %dma_start3A_271 : memref<1x128xi32, #tpu.memory_space<vmem>> -> memref<128xi32, #tpu.memory_space<vmem>>
        %dma_start3A_273 = arith.constant 0 : i32
        %dma_start3A_274 = arith.constant 0 : i32
        %dma_start3A_275 = tpu.memref_slice %arg3[%dma_start3A_273, %dma_start3A_274] : memref<100000x128xf32, #tpu.memory_space<hbm>> -> memref<100000x128xf32, #tpu.memory_space<hbm>>
        tpu.enqueue_indirect_dma source(%dma_start3A_275 : memref<100000x128xf32, #tpu.memory_space<hbm>>) target(%arg10 : memref<128x128xf32, #tpu.memory_space<vmem>>) offsets(%dma_start3A_272 : memref<128xi32, #tpu.memory_space<vmem>>) semaphore(%arg16 : memref<!tpu.dma_semaphore, #tpu.memory_space<semaphore_mem>>)
      } else {
      }
    }
    %scan3A_41 = arith.constant 4 : i32
    %dma_wait3A = arith.constant 24 : i32
    %dma_wait3A_42 = arith.constant 0 : i32
    %dma_wait3A_43 = tpu.memref_slice %arg5[%dma_wait3A, %dma_wait3A_42] : memref<26x128xi32, #tpu.memory_space<vmem>> -> memref<1x128xi32, #tpu.memory_space<vmem>>
    %dma_wait3A_44 = tpu.memref_squeeze %dma_wait3A_43 : memref<1x128xi32, #tpu.memory_space<vmem>> -> memref<128xi32, #tpu.memory_space<vmem>>
    %dma_wait3A_45 = arith.constant 0 : i32
    %dma_wait3A_46 = arith.constant 0 : i32
    %dma_wait3A_47 = tpu.memref_slice %arg3[%dma_wait3A_45, %dma_wait3A_46] : memref<100000x128xf32, #tpu.memory_space<hbm>> -> memref<100000x128xf32, #tpu.memory_space<hbm>>
    tpu.wait_indirect_dma semaphore(%arg12 : memref<!tpu.dma_semaphore, #tpu.memory_space<semaphore_mem>>) src(%dma_wait3A_47 : memref<100000x128xf32, #tpu.memory_space<hbm>>) dst(%arg6 : memref<128x128xf32, #tpu.memory_space<vmem>>)
    %add3A_48 = arith.constant 98304 : i32
    %add3A_49 = arith.addi %add3A_48, %mul3A_2 : i32
    %dma_start3A_50 = arith.constant 0 : i32
    %dma_start3A_51 = tpu.memref_slice %arg4[%add3A_49, %dma_start3A_50] : memref<106496x128xf32, #tpu.memory_space<hbm>> -> memref<128x128xf32, #tpu.memory_space<hbm>>
    %dma_start3A_52 = arith.constant 0 : i32
    %dma_start3A_53 = tpu.memref_slice %arg4[%add3A_49, %dma_start3A_52] : memref<106496x128xf32, #tpu.memory_space<hbm>> -> memref<128x128xf32, #tpu.memory_space<hbm>>
    tpu.enqueue_dma source(%arg6 : memref<128x128xf32, #tpu.memory_space<vmem>>) target(%dma_start3A_53 : memref<128x128xf32, #tpu.memory_space<hbm>>) target_semaphore(%arg18 : memref<!tpu.dma_semaphore, #tpu.memory_space<semaphore_mem>>)
    %dma_wait3A_54 = arith.constant 25 : i32
    %dma_wait3A_55 = arith.constant 0 : i32
    %dma_wait3A_56 = tpu.memref_slice %arg5[%dma_wait3A_54, %dma_wait3A_55] : memref<26x128xi32, #tpu.memory_space<vmem>> -> memref<1x128xi32, #tpu.memory_space<vmem>>
    %dma_wait3A_57 = tpu.memref_squeeze %dma_wait3A_56 : memref<1x128xi32, #tpu.memory_space<vmem>> -> memref<128xi32, #tpu.memory_space<vmem>>
    %dma_wait3A_58 = arith.constant 0 : i32
    %dma_wait3A_59 = arith.constant 0 : i32
    %dma_wait3A_60 = tpu.memref_slice %arg3[%dma_wait3A_58, %dma_wait3A_59] : memref<100000x128xf32, #tpu.memory_space<hbm>> -> memref<100000x128xf32, #tpu.memory_space<hbm>>
    tpu.wait_indirect_dma semaphore(%arg13 : memref<!tpu.dma_semaphore, #tpu.memory_space<semaphore_mem>>) src(%dma_wait3A_60 : memref<100000x128xf32, #tpu.memory_space<hbm>>) dst(%arg7 : memref<128x128xf32, #tpu.memory_space<vmem>>)
    %add3A_61 = arith.constant 102400 : i32
    %add3A_62 = arith.addi %add3A_61, %mul3A_2 : i32
    %dma_start3A_63 = arith.constant 0 : i32
    %dma_start3A_64 = tpu.memref_slice %arg4[%add3A_62, %dma_start3A_63] : memref<106496x128xf32, #tpu.memory_space<hbm>> -> memref<128x128xf32, #tpu.memory_space<hbm>>
    %dma_start3A_65 = arith.constant 0 : i32
    %dma_start3A_66 = tpu.memref_slice %arg4[%add3A_62, %dma_start3A_65] : memref<106496x128xf32, #tpu.memory_space<hbm>> -> memref<128x128xf32, #tpu.memory_space<hbm>>
    tpu.enqueue_dma source(%arg7 : memref<128x128xf32, #tpu.memory_space<vmem>>) target(%dma_start3A_66 : memref<128x128xf32, #tpu.memory_space<hbm>>) target_semaphore(%arg19 : memref<!tpu.dma_semaphore, #tpu.memory_space<semaphore_mem>>)
    %add3A_67 = arith.constant 81920 : i32
    %add3A_68 = arith.addi %add3A_67, %mul3A_2 : i32
    %dma_wait3A_69 = arith.constant 0 : i32
    %dma_wait3A_70 = tpu.memref_slice %arg4[%add3A_68, %dma_wait3A_69] : memref<106496x128xf32, #tpu.memory_space<hbm>> -> memref<128x128xf32, #tpu.memory_space<hbm>>
    %dma_wait3A_71 = arith.constant 0 : i32
    %dma_wait3A_72 = tpu.memref_slice %arg4[%add3A_68, %dma_wait3A_71] : memref<106496x128xf32, #tpu.memory_space<hbm>> -> memref<128x128xf32, #tpu.memory_space<hbm>>
    tpu.wait_dma2 semaphore(%arg20 : memref<!tpu.dma_semaphore, #tpu.memory_space<semaphore_mem>>) src(%arg8 : memref<128x128xf32, #tpu.memory_space<vmem>>) dst(%dma_wait3A_72 : memref<128x128xf32, #tpu.memory_space<hbm>>)
    %add3A_73 = arith.constant 86016 : i32
    %add3A_74 = arith.addi %add3A_73, %mul3A_2 : i32
    %dma_wait3A_75 = arith.constant 0 : i32
    %dma_wait3A_76 = tpu.memref_slice %arg4[%add3A_74, %dma_wait3A_75] : memref<106496x128xf32, #tpu.memory_space<hbm>> -> memref<128x128xf32, #tpu.memory_space<hbm>>
    %dma_wait3A_77 = arith.constant 0 : i32
    %dma_wait3A_78 = tpu.memref_slice %arg4[%add3A_74, %dma_wait3A_77] : memref<106496x128xf32, #tpu.memory_space<hbm>> -> memref<128x128xf32, #tpu.memory_space<hbm>>
    tpu.wait_dma2 semaphore(%arg21 : memref<!tpu.dma_semaphore, #tpu.memory_space<semaphore_mem>>) src(%arg9 : memref<128x128xf32, #tpu.memory_space<vmem>>) dst(%dma_wait3A_78 : memref<128x128xf32, #tpu.memory_space<hbm>>)
    %add3A_79 = arith.constant 90112 : i32
    %add3A_80 = arith.addi %add3A_79, %mul3A_2 : i32
    %dma_wait3A_81 = arith.constant 0 : i32
    %dma_wait3A_82 = tpu.memref_slice %arg4[%add3A_80, %dma_wait3A_81] : memref<106496x128xf32, #tpu.memory_space<hbm>> -> memref<128x128xf32, #tpu.memory_space<hbm>>
    %dma_wait3A_83 = arith.constant 0 : i32
    %dma_wait3A_84 = tpu.memref_slice %arg4[%add3A_80, %dma_wait3A_83] : memref<106496x128xf32, #tpu.memory_space<hbm>> -> memref<128x128xf32, #tpu.memory_space<hbm>>
    tpu.wait_dma2 semaphore(%arg22 : memref<!tpu.dma_semaphore, #tpu.memory_space<semaphore_mem>>) src(%arg10 : memref<128x128xf32, #tpu.memory_space<vmem>>) dst(%dma_wait3A_84 : memref<128x128xf32, #tpu.memory_space<hbm>>)
    %add3A_85 = arith.constant 94208 : i32
    %add3A_86 = arith.addi %add3A_85, %mul3A_2 : i32
    %dma_wait3A_87 = arith.constant 0 : i32
    %dma_wait3A_88 = tpu.memref_slice %arg4[%add3A_86, %dma_wait3A_87] : memref<106496x128xf32, #tpu.memory_space<hbm>> -> memref<128x128xf32, #tpu.memory_space<hbm>>
    %dma_wait3A_89 = arith.constant 0 : i32
    %dma_wait3A_90 = tpu.memref_slice %arg4[%add3A_86, %dma_wait3A_89] : memref<106496x128xf32, #tpu.memory_space<hbm>> -> memref<128x128xf32, #tpu.memory_space<hbm>>
    tpu.wait_dma2 semaphore(%arg23 : memref<!tpu.dma_semaphore, #tpu.memory_space<semaphore_mem>>) src(%arg11 : memref<128x128xf32, #tpu.memory_space<vmem>>) dst(%dma_wait3A_90 : memref<128x128xf32, #tpu.memory_space<hbm>>)
    %add3A_91 = arith.constant 98304 : i32
    %add3A_92 = arith.addi %add3A_91, %mul3A_2 : i32
    %dma_wait3A_93 = arith.constant 0 : i32
    %dma_wait3A_94 = tpu.memref_slice %arg4[%add3A_92, %dma_wait3A_93] : memref<106496x128xf32, #tpu.memory_space<hbm>> -> memref<128x128xf32, #tpu.memory_space<hbm>>
    %dma_wait3A_95 = arith.constant 0 : i32
    %dma_wait3A_96 = tpu.memref_slice %arg4[%add3A_92, %dma_wait3A_95] : memref<106496x128xf32, #tpu.memory_space<hbm>> -> memref<128x128xf32, #tpu.memory_space<hbm>>
    tpu.wait_dma2 semaphore(%arg18 : memref<!tpu.dma_semaphore, #tpu.memory_space<semaphore_mem>>) src(%arg6 : memref<128x128xf32, #tpu.memory_space<vmem>>) dst(%dma_wait3A_96 : memref<128x128xf32, #tpu.memory_space<hbm>>)
    %add3A_97 = arith.constant 102400 : i32
    %add3A_98 = arith.addi %add3A_97, %mul3A_2 : i32
    %dma_wait3A_99 = arith.constant 0 : i32
    %dma_wait3A_100 = tpu.memref_slice %arg4[%add3A_98, %dma_wait3A_99] : memref<106496x128xf32, #tpu.memory_space<hbm>> -> memref<128x128xf32, #tpu.memory_space<hbm>>
    %dma_wait3A_101 = arith.constant 0 : i32
    %dma_wait3A_102 = tpu.memref_slice %arg4[%add3A_98, %dma_wait3A_101] : memref<106496x128xf32, #tpu.memory_space<hbm>> -> memref<128x128xf32, #tpu.memory_space<hbm>>
    tpu.wait_dma2 semaphore(%arg19 : memref<!tpu.dma_semaphore, #tpu.memory_space<semaphore_mem>>) src(%arg7 : memref<128x128xf32, #tpu.memory_space<vmem>>) dst(%dma_wait3A_102 : memref<128x128xf32, #tpu.memory_space<hbm>>)
    return
  }
}

</mosaic_0001>

<sc_bundles>
// kernel: _gather.3.cloned.1.call-start
scs
__scs_entry_jumppad:
0x0: {  	(pc) =	sbr.rel $0x88, $3  }
0x1: {  	(tag) =	ssettag $0x0;
	lr =	simm.s32 $0x1  }
0x2: {  	[smem:$0x3F9F] =	sst lr;
	_ =	strace $0xD0000000  }
0x3: {  	_ = 	snop  }
0x4: {  	_ = 	snop  }
0x5: {  	_ = 	snop  }
0x6: {  	_ = 	snop  }
0x7: {  	_ = 	snop  }
__scs_overlays_trampoline_lowered:
0x8: {  	[smem:$0x3FAE] =	sst s0  }
0x9: {  	[smem:$0x3FAF] =	sst s1  }
0xa: {  	[smem:$0x3FB0] =	sst s2  }
0xb: {  	[smem:$0x3FB1] =	sst s3  }
0xc: {  	[smem:$0x3FB2] =	sst s4  }
0xd: {  	[smem:$0x3FB3] =	sst s5  }
0xe: {  	[smem:$0x3FB4] =	sst s6  }
0xf: {  	[smem:$0x3FB5] =	sst s7  }
0x10: {  	[smem:$0x3FB6] =	sst s8  }
0x11: {  	[smem:$0x3FB7] =	sst s9;
	s0 =	simm.s32 @!p0 $0x0  }
0x12: {  	s1 =	sld [smem:$0x3F9D];
	s0 =	simm.s32 @p0 $0x1  }
0x13: {  	[smem:$0x3FB8] =	sst s0;
	s0 =	simm.s32 @!p1 $0x0  }
0x14: {  	s2 =	sld [smem:$0x3F9C];
	s0 =	simm.s32 @p1 $0x1  }
0x15: {  	[smem:$0x3FB9] =	sst s0;
	s0 =	simm.s32 @!p2 $0x0  }
0x16: {  	s3 =	sld [smem:$0x3FDB];
	s0 =	simm.s32 @p2 $0x1  }
0x17: {  	s4 =	simm.s32 $0x1BF5;
	[smem:$0x3FBB] =	sst s0  }
0x18: {  	s0 =	sld [smem:$0x3F9E];
	_ =	swait.ge [sflag:s4], $0x0  }
0x19: {  	s7 =	sld [smem:$0x3F9F]  }
0x1a: {  	s8 =	sadd.s32 $0xFFFFE003, lr  }
0x1b: {  	s9 =	sadd.s32 $0xFFFFFEF7, lr;
	s5 =	simm.s32 $0xFFFFFFFF;
	p2 =	slt.u32 s8, $0xFFFFF086  }
0x1c: {  	p1 =	slt.u32 s9, $0xF7A;
	s5 =	simm.s32 @!p2 $0x0  }
0x1d: {  	s5 =	simm.s32 @p1 $0x1;
	p0 =	seq.s32 s7, s2  }
0x1e: {  	s7 =	smul.u32 @!p0 $0xF7A, s2;
	p2 =	seq.s32 @!p0 s5, $0x0  }
0x1f: {  	s9 =	smul.u32 $0xF7A, s1;
	s8 =	simm.s32 @!p0 $0x1BF5;
	p2 =	por !p2, p0  }
0x20: {  	[sflag:s8] =	ssyncset.s32 @!p0 $0xFFFFF086;
	s6 =	sadd.s32 @!p0 s3, s7;
	s7 =	simm.s32 @!p0 $0x108  }
0x21: {  	s3 =	sadd.s32 s3, s9;
	s6 =	sadd.s32 @!p0 $0x88, s6;
	s7 =	simm.s32 @p2 $0x1082  }
0x22: {  	[simem:s7], [sflag:s8] =	dma.local @!p0 [hbm:s6], $0xF7A  }
0x23: {  	s9 =	sor.u32 $0xD0000000, s2;
	s6 =	simm.s32 $0x108;
	_ =	swait.ge @!p0 [sflag:s8], $0x0  }
0x24: {  	s3 =	sadd.s32 $0x88, s3;
	s6 =	simm.s32 @!p1 $0x1082;
	[sflag:s4] =	ssyncset.s32 $0xFFFFF086  }
0x25: {  	[simem:s6], [sflag:s4] =	dma.local [hbm:s3], $0xF7A  }
0x26: {  	[smem:$0x3F9F] =	sst s1;
	(tag) =	ssettag s2;
	_ =	strace s9  }
0x27: {  	s1 =	sld [smem:$0x3FAF]  }
0x28: {  	s2 =	sld [smem:$0x3FB0]  }
0x29: {  	s4 =	sld [smem:$0x3FB2]  }
0x2a: {  	p0 =	seq.s32 s5, $0x0;
	s5 =	sld [smem:$0x3FB3]  }
0x2b: {  	s6 =	sld [smem:$0x3FB4]  }
0x2c: {  	s7 =	sld [smem:$0x3FB5]  }
0x2d: {  	s3 =	simm.s32 $0x108;
	s8 =	sld [smem:$0x3FB6]  }
0x2e: {  	s3 =	simm.s32 @!p0 $0x1082;
	s9 =	sld [smem:$0x3FB7]  }
0x2f: {  	lr =	sadd.s32 s0, s3;
	s0 =	sld [smem:$0x3FAE]  }
0x30: {  	s3 =	sld [smem:$0x3FB1]  }
0x31: {  	[smem:$0x3FBA] =	sst s10  }
0x32: {  	s10 =	sld [smem:$0x3FB8];
	_ =	sdelay $0x3  }
0x33: {  	p0 =	seq.s32 s10, $0x1;
	s10 =	sld [smem:$0x3FBA];
	_ =	sdelay $0x3  }
0x34: {  	[smem:$0x3FBA] =	sst s10  }
0x35: {  	s10 =	sld [smem:$0x3FB9];
	_ =	sdelay $0x3  }
0x36: {  	p1 =	seq.s32 s10, $0x1;
	s10 =	sld [smem:$0x3FBA];
	_ =	sdelay $0x3  }
0x37: {  	[smem:$0x3FBA] =	sst s10  }
0x38: {  	s10 =	sld [smem:$0x3FBB]  }
0x39: {  	_ = 	snop;
	(pc) =	sbr.ind lr, $3  }
0x3a: {  	_ = 	snop  }
0x3b: {  	_ = 	snop  }
0x3c: {  	p2 =	seq.s32 s10, $0x1;
	s10 =	sld [smem:$0x3FBA]  }
0x3d: {  	_ =	shalt  }
0x3e: {  	_ =	shalt  }
0x3f: {  	_ =	shalt  }
0x40: {  	_ =	shalt  }
0x41: {  	_ =	shalt  }
0x42: {  	_ =	shalt  }
0x43: {  	_ =	shalt  }
0x44: {  	_ =	shalt  }
0x45: {  	_ =	shalt  }
0x46: {  	_ =	shalt  }
0x47: {  	_ =	shalt  }
0x48: {  	_ =	shalt  }
0x49: {  	_ =	shalt  }
0x4a: {  	_ =	shalt  }
0x4b: {  	_ =	shalt  }
0x4c: {  	_ =	shalt  }
0x4d: {  	_ =	shalt  }
0x4e: {  	_ =	shalt  }
0x4f: {  	_ =	shalt  }
0x50: {  	_ =	shalt  }
0x51: {  	_ =	shalt  }
0x52: {  	_ =	shalt  }
0x53: {  	_ =	shalt  }
0x54: {  	_ =	shalt  }
0x55: {  	_ =	shalt  }
0x56: {  	_ =	shalt  }
0x57: {  	_ =	shalt  }
0x58: {  	_ =	shalt  }
0x59: {  	_ =	shalt  }
0x5a: {  	_ =	shalt  }
0x5b: {  	_ =	shalt  }
0x5c: {  	_ =	shalt  }
0x5d: {  	_ =	shalt  }
0x5e: {  	_ =	shalt  }
0x5f: {  	_ =	shalt  }
0x60: {  	_ =	shalt  }
0x61: {  	_ =	shalt  }
0x62: {  	_ =	shalt  }
0x63: {  	_ =	shalt  }
0x64: {  	_ =	shalt  }
0x65: {  	_ =	shalt  }
0x66: {  	_ =	shalt  }
0x67: {  	_ =	shalt  }
0x68: {  	_ =	shalt  }
0x69: {  	_ =	shalt  }
0x6a: {  	_ =	shalt  }
0x6b: {  	_ =	shalt  }
0x6c: {  	_ =	shalt  }
0x6d: {  	_ =	shalt  }
0x6e: {  	_ =	shalt  }
0x6f: {  	_ =	shalt  }
0x70: {  	_ =	shalt  }
0x71: {  	_ =	shalt  }
0x72: {  	_ =	shalt  }
0x73: {  	_ =	shalt  }
0x74: {  	_ =	shalt  }
0x75: {  	_ =	shalt  }
0x76: {  	_ =	shalt  }
0x77: {  	_ =	shalt  }
0x78: {  	_ =	shalt  }
0x79: {  	_ =	shalt  }
0x7a: {  	_ =	shalt  }
0x7b: {  	_ =	shalt  }
0x7c: {  	_ =	shalt  }
0x7d: {  	_ =	shalt  }
0x7e: {  	_ =	shalt  }
0x7f: {  	_ =	shalt  }
0x80: {  	_ =	shalt  }
0x81: {  	_ =	shalt  }
0x82: {  	_ =	shalt  }
0x83: {  	_ =	shalt  }
0x84: {  	_ =	shalt  }
0x85: {  	_ =	shalt  }
0x86: {  	_ =	shalt  }
0x87: {  	_ =	shalt  }
.Lfunc_end0:
.L_simem_size_0:
called_computation_lowered:
.L_overlay_start_0:
0x88: {  	s2 =	sld [smem:$0x3FD9]  }
0x89: {  	s3 =	sld [smem:$0x3FFE];
	_ =	sdelay $0x1  }
0x8a: {  	s1 =	srdreg.scid  }
0x8b: {  	s0 =	sand.u32 $0x1, s1  }
0x8c: {  	s18 =	sshll.u32 s0, $0xA;
	s2 =	sadd.s32 s3, s2  }
0x8d: {  	s2 =	sadd.s32 s2, s18  }
0x8e: {  	[smem:$0x3FC6] =	sst s2  }
0x8f: {  	_ = 	snop  }
0x90: {  	s2 =	sld [smem:$0x3FC9]  }
0x91: {  	s19 =	sld [smem:$0x3FC8]  }
0x92: {  	s4 =	sld [smem:$0x3FD0];
	(tm) =	ssettm $0x1  }
0x93: {  	s5 =	sld [smem:$0x3FFB];
	_ =	sdelay $0x3  }
0x94: {  	_ =	strace s5  }
0x95: {  	s5 =	sld [smem:$0x3FFC];
	_ =	sdelay $0x3  }
0x96: {  	_ =	strace s5  }
0x97: {  	s5 =	sld [smem:$0x3FFD];
	_ =	sdelay $0x3  }
0x98: {  	_ =	strace s5  }
0x99: {  	_ =	strace $0x8FFFFFFF  }
0x9a: {  	s20 =	sld [smem:$0x3FDB];
	_ =	sdelay $0x1  }
0x9b: {  	s6 =	simm.s32 $_scs_section_size  }
0x9c: {  	s7 =	simm.s32 $_size__tile_overlayer_lowered;
	s8 =	simm.s32 $_tile_overlayer_lowered  }
0x9d: {  	s23 =	simm.s32 $0x1BFF;
	s22 =	sshll.u32 s8, $0x1;
	s5 =	sadd.s32 s6, s20  }
0x9e: {  	s9 =	simm.s32 $0x0;
	s21 =	sshll.u32 s7, $0x1;
	s7 =	sadd.s32 s22, s5  }
0x9f: {  	[timem:s9], [sflag:s23] =	dma.local [hbm:s7], s21  }
0xa0: {  	_ =	swait.ge [sflag:s23], s21  }
0xa1: {  	s6 =	ssub.s32 $0x0, s21;
	[sflag:s23] =	ssyncset.done $0x0  }
0xa2: {  	[sflag:s23] =	ssyncadd.s32 s6;
	_ =	sdelay $0x1  }
0xa3: {  	s24 =	simm.s32 $0x1B8B  }
0xa4: {  	_ =	swait.ge [sflag:s24], $0x1  }
0xa5: {  	[sflag:s24] =	ssyncset.done $0x0  }
0xa6: {  	s25 =	simm.s32 $0x1B8E;
	[sflag:s24] =	ssyncadd.s32 $0xFFFFFFFF  }
0xa7: {  	s26 =	simm.s32 $execute0_lowered;
	[smem:$0x3FD2] =	sst s25  }
0xa8: {  	s6 =	sshll.u32 s26, $0x1;
	_ =	strace $0x80000046;
	[dreg:$0x1] =	wrdreg $0xFFFFFFFF  }
0xa9: {  	s28 =	simm.s32 $_size_execute0_lowered;
	s5 =	sadd.s32 s5, s6;
	[dreg:$0x0] =	wrdreg $0x0  }
0xaa: {  	s6 =	sshll.u32 s28, $0x1;
	[dreg:$0x2] =	wrdreg s5  }
0xab: {  	[dreg:$0x3] =	wrdreg s6  }
0xac: {  	[dreg:$0x4] =	wrdreg $0xC0  }
0xad: {  	_ =	task [dreg:s9], $0x5FFFF  }
0xae: {  	[dreg:$0x1] =	wrdreg $0xFFFFFFFF  }
0xaf: {  	[dreg:$0x0] =	wrdreg $0x60  }
0xb0: {  	[dreg:$0x2] =	wrdreg s2  }
0xb1: {  	[dreg:$0x3] =	wrdreg s19  }
0xb2: {  	[dreg:$0x4] =	wrdreg s4  }
0xb3: {  	[dreg:$0x5] =	wrdreg $0x9  }
0xb4: {  	_ =	task.clear_ibuf [dreg:s9], $0x6FFFF;
	_ =	strace $0x90000046  }
0xb5: {  	s29 =	simm.s32 $0x9;
	_ =	strace $0x80000048  }
0xb6: {  	_ =	swait.ge [sflag:s29], $0x1  }
0xb7: {  	[sflag:s29] =	ssyncadd.s32 $0xFFFFFFFF  }
0xb8: {  	_ =	strace $0x90000048  }
0xb9: {  	_ =	sfence  }
0xba: {  	s30 =	sld [smem:$0x0];
	_ =	sdelay $0x2  }
0xbb: {  	s31 =	sshll.u32 s1, $0xD;
	s1 =	sshrl.u32 s1, $0x2  }
0xbc: {  	s3 =	sand.u32 $0x4000, s31;
	s1 =	sadd.s32 s1, s30  }
0xbd: {  	s0 =	sor.u32 s3, s0;
	s1 =	sshll.u32 s1, $0x11  }
0xbe: {  	s0 =	sor.u32 s1, s0  }
0xbf: {  	s0 =	sadd.s32 $0x8F2B, s0  }
0xc0: {  	[sflag:s0] =	ssyncadd.remote.s32 $0x1  }
0xc1: {  	_ =	sfence.sel $0xFFFF  }
0xc2: {  	[dreg:$0x0] =	wrdreg $0xFFFFFFFF;
	(pc) =	sbr.abs _section_cstart, $3  }
0xc3: {  	[dreg:$0x1] =	wrdreg $0xFFFFFFFF  }
0xc4: {  	_ =	task.clear_ibuf [dreg:s9], $0x2FFFF;
	_ =	strace $0x9FFFFFFF  }
0xc5: {  	(tm) =	ssettm $0x7FFFFFFF  }
tec
execute0_lowered:
.L_overlay_start_1:
0x0: {  	(tag) =	ssettag $0x1  }
0x1: {  	s0 =	rddreg [dreg:$0x0]  }
0x2: {  	s2 =	rddreg [dreg:$0x1]  }
0x3: {  	s1 =	rddreg [dreg:$0x2]  }
0x4: {  	s3 =	srdreg.scid;
	s9 =	stileid.u32  }
0x5: {  	s14 =	simm.s32 $0xD;
	s15 =	simm.s32 $0x80;
	s16 =	simm.s32 $0x1000  }
0x6: {  	s17 =	simm.s32 $0x5000;
	s19 =	simm.s32 $0x9000;
	s28 =	simm.s32 $0x7  }
0x7: {  	s29 =	simm.s32 $0x3;
	s30 =	simm.s32 $0x8;
	s31 =	simm.s32 $0x4  }
0x8: {  	s11 =	simm.s32 $0xA;
	s12 =	simm.s32 $0xB;
	s13 =	simm.s32 $0xC  }
0x9: {  	s18 =	simm.s32 $0x0;
	s5 =	sand.u32 $0x1, s3;
	s3 =	simm.s32 $0x0  }
0xa: {  	s4 =	sshll.u32 s9, $0x8;
	s10 =	sshll.u32 s9, $0xC;
	s6 =	sshll.u32 s5, $0x7  }
0xb: {  	[smem:$0x7FF] =	sst s3;
	s20 =	ssub.s32 $0x2, s5;
	s25 =	sadd.s32 s10, s1  }
0xc: {  	s26 =	sshll.u32 s5, $0xB;
	s4 =	sor.u32 s6, s4;
	_ =	strace $0x80000047  }
0xd: {  	s8 =	sshrl.u32 s20, $0x1;
	s10 =	sadd.s32 s26, s25;
	s25 =	simm.s32 $0x15000  }
0xe: {  	s26 =	simm.s32 $0x2;
	s7 =	sshll.u32 s4, $0x4;
	s4 =	sadd.s32 s0, s4  }
0xf: {  	s8 =	ssub.s32 s20, s8;
	s0 =	simm.s32 $0x6;
	s21 =	sadd.s32 s7, s1  }
.Ltmp0:
0x10: {  	[dreg:$0x4] =	wrdreg s4;
	s4 =	sadd.s32 $0x3000, s4;
	(pc) =	sbr.rel .LBB2_1-.Ltmp0, $4  }
0x11: {  	s24 =	smax.u32 s8, $0x1;
	s1 =	simm.s32 $0x9;
	[dreg:$0x5] =	wrdreg s4  }
0x12: {  	s22 =	sadd.s32 $0x180000, s21;
	s23 =	sadd.s32 $0x190000, s21;
	[dreg:$0x8] =	wrdreg s24  }
0x13: {  	s9 =	sadd.s32 $0x160000, s21;
	s21 =	simm.s32 $0xD000;
	[dreg:$0x6] =	wrdreg s22  }
0x14: {  	s24 =	simm.s32 $0x1;
	[dreg:$0x7] =	wrdreg s23;
	s23 =	simm.s32 $0x11000  }
.LBB2_4:
0x15: {  	_ =	swait.ge [sflag:s24], $0x4000  }
0x16: {  	[sflag:s24] =	ssyncset.done $0x0  }
0x17: {  	s4 =	rddreg [dreg:$0x6];
	[sflag:s24] =	ssyncadd.s32 $0xFFFFC000  }
0x18: {  	[hbm4b:s4+s3] =	stream.linear.scatter [tilespmem:s16], [sflag:$0x7], $0x4000, $0x38;
	[tilespmem:$0x19000] =	vst v63  }
0x19: {  	_ =	swait.ge [sflag:s26], $0x4000  }
0x1a: {  	[sflag:s26] =	ssyncset.done $0x0  }
0x1b: {  	s20 =	rddreg [dreg:$0x7];
	[sflag:s26] =	ssyncadd.s32 $0xFFFFC000  }
0x1c: {  	[hbm4b:s20+s3] =	stream.linear.scatter [tilespmem:s17], [sflag:$0x8], $0x4000, $0x38;
	[tilespmem:$0x19000] =	vst v63  }
0x1d: {  	_ =	swait.ge [sflag:s1], $0x4000  }
0x1e: {  	[sflag:s1] =	ssyncset.done $0x0  }
0x1f: {  	[sflag:s1] =	ssyncadd.s32 $0xFFFFC000  }
0x20: {  	_ =	swait.ge [sflag:s11], $0x4000  }
0x21: {  	[sflag:s11] =	ssyncset.done $0x0  }
0x22: {  	[sflag:s11] =	ssyncadd.s32 $0xFFFFC000  }
0x23: {  	_ =	swait.ge [sflag:s12], $0x4000  }
0x24: {  	[sflag:s12] =	ssyncset.done $0x0  }
0x25: {  	[sflag:s12] =	ssyncadd.s32 $0xFFFFC000  }
0x26: {  	_ =	swait.ge [sflag:s13], $0x4000  }
0x27: {  	[sflag:s13] =	ssyncset.done $0x0  }
0x28: {  	[sflag:s13] =	ssyncadd.s32 $0xFFFFC000  }
0x29: {  	_ =	swait.ge [sflag:s28], $0x4000  }
0x2a: {  	[sflag:s28] =	ssyncset.done $0x0  }
0x2b: {  	[sflag:s28] =	ssyncadd.s32 $0xFFFFC000  }
0x2c: {  	_ =	swait.ge [sflag:s30], $0x4000  }
0x2d: {  	s18 =	sadd.s32 $0x1, s18;
	s22 =	rddreg [dreg:$0x8]  }
0x2e: {  	p0 =	sne.s32 s18, s22  }
.Ltmp1:
0x2f: {  	_ = 	snop;
	(pc) =	sbr.rel @!p0 .LBB2_5-.Ltmp1, $3  }
0x30: {  	_ =	sdelay $0x1  }
0x31: {  	[sflag:s30] =	ssyncset.done $0x0  }
0x32: {  	[sflag:s30] =	ssyncadd.s32 $0xFFFFC000  }
.LBB2_1:
0x33: {  	s4 =	rddreg [dreg:$0x4];
	s5 =	simm.s32 $0x400;
	s6 =	simm.s32 $0x8000  }
0x34: {  	[tilespmem:s3], [sflag:$0xD] =	stream.strided.gather [hbm4b:s4+s5], $0xC00, s6, s5, $0x38;
	[tilespmem:$0x19000] =	vst v63  }
0x35: {  	s7 =	simm.s32 $0xC00;
	s6 =	rddreg [dreg:$0x5]  }
0x36: {  	[tilespmem:s7], [sflag:$0xD] =	stream.linear.gather [hbm4b:s6+s3], $0x100, $0x38;
	[tilespmem:$0x19000] =	vst v63  }
0x37: {  	_ =	swait.ge [sflag:s14], $0xD00  }
0x38: {  	[sflag:s14] =	ssyncset.done $0x0  }
0x39: {  	[sflag:s14] =	ssyncadd.s32 $0xFFFFF300  }
0x3a: {  	[tilespmem:s16], [sflag:$0x1] =	stream.indirect.gather [hbm4b:s2+s15], $0x80, s3, s15, $0xb8;
	[tilespmem:$0x19000] =	vst v63  }
0x3b: {  	_ = 	snop  }
0x3c: {  	[tilespmem:s17], [sflag:$0x2] =	stream.indirect.gather [hbm4b:s2+s15], $0x80, s15, s15, $0xb8;
	[tilespmem:$0x19000] =	vst v63  }
0x3d: {  	s8 =	simm.s32 $0x100  }
0x3e: {  	[tilespmem:s19], [sflag:$0x3] =	stream.indirect.gather [hbm4b:s2+s15], $0x80, s8, s15, $0xb8;
	[tilespmem:$0x19000] =	vst v63  }
0x3f: {  	s20 =	simm.s32 $0x180  }
0x40: {  	[tilespmem:s21], [sflag:$0x4] =	stream.indirect.gather [hbm4b:s2+s15], $0x80, s20, s15, $0xb8;
	[tilespmem:$0x19000] =	vst v63  }
0x41: {  	s22 =	simm.s32 $0x200  }
0x42: {  	[tilespmem:s23], [sflag:$0x5] =	stream.indirect.gather [hbm4b:s2+s15], $0x80, s22, s15, $0xb8;
	[tilespmem:$0x19000] =	vst v63  }
0x43: {  	s20 =	simm.s32 $0x280;
	s22 =	simm.s32 $0x0  }
.LBB2_2:
0x44: {  	_ =	swait.ge [sflag:s24], $0x4000  }
0x45: {  	p0 =	seq.s32 s22, $0x0;
	[sflag:s24] =	ssyncset.done $0x0  }
0x46: {  	s5 =	sadd.s32 s22, s10;
	s6 =	simm.s32 @!p0 $0xC;
	[sflag:s24] =	ssyncadd.s32 $0xFFFFC000  }
0x47: {  	[hbm4b:s5+s3] =	stream.linear.scatter [tilespmem:s16], [sflag:$0x7], $0x4000, $0x38;
	[tilespmem:$0x19000] =	vst v63  }
0x48: {  	_ =	swait.ge @!p0 [sflag:s6], $0x4000  }
0x49: {  	[sflag:s6] =	ssyncset.done @!p0 $0x0  }
0x4a: {  	[sflag:s6] =	ssyncadd.s32 @!p0 $0xFFFFC000  }
0x4b: {  	[tilespmem:s25], [sflag:$0x6] =	stream.indirect.gather [hbm4b:s2+s15], $0x80, s20, s15, $0xb8;
	[tilespmem:$0x19000] =	vst v63  }
0x4c: {  	_ =	swait.ge [sflag:s26], $0x4000  }
0x4d: {  	[sflag:s26] =	ssyncset.done $0x0  }
0x4e: {  	s4 =	sadd.s32 $0x10000, s5;
	[sflag:s26] =	ssyncadd.s32 $0xFFFFC000  }
0x4f: {  	[hbm4b:s4+s3] =	stream.linear.scatter [tilespmem:s17], [sflag:$0x8], $0x4000, $0x38;
	[tilespmem:$0x19000] =	vst v63  }
0x50: {  	_ =	swait.ge [sflag:s28], $0x4000  }
0x51: {  	[sflag:s28] =	ssyncset.done $0x0  }
0x52: {  	s7 =	sadd.s32 $0x80, s20;
	[sflag:s28] =	ssyncadd.s32 $0xFFFFC000  }
0x53: {  	[tilespmem:s16], [sflag:$0x1] =	stream.indirect.gather [hbm4b:s2+s15], $0x80, s7, s15, $0xb8;
	[tilespmem:$0x19000] =	vst v63  }
0x54: {  	_ =	swait.ge [sflag:s29], $0x4000  }
0x55: {  	[sflag:s29] =	ssyncset.done $0x0  }
0x56: {  	s8 =	sadd.s32 $0x20000, s5;
	[sflag:s29] =	ssyncadd.s32 $0xFFFFC000  }
0x57: {  	[hbm4b:s8+s3] =	stream.linear.scatter [tilespmem:s19], [sflag:$0x9], $0x4000, $0x38;
	[tilespmem:$0x19000] =	vst v63  }
0x58: {  	_ =	swait.ge [sflag:s30], $0x4000  }
0x59: {  	[sflag:s30] =	ssyncset.done $0x0  }
0x5a: {  	s4 =	sadd.s32 $0x100, s20;
	[sflag:s30] =	ssyncadd.s32 $0xFFFFC000  }
0x5b: {  	[tilespmem:s17], [sflag:$0x2] =	stream.indirect.gather [hbm4b:s2+s15], $0x80, s4, s15, $0xb8;
	[tilespmem:$0x19000] =	vst v63  }
0x5c: {  	_ =	swait.ge [sflag:s31], $0x4000  }
0x5d: {  	p0 =	seq.s32 s22, $0x120000;
	[sflag:s31] =	ssyncset.done $0x0  }
0x5e: {  	s6 =	simm.s32 @p0 $0x5;
	s7 =	sadd.s32 $0x30000, s5;
	[sflag:s31] =	ssyncadd.s32 $0xFFFFC000  }
0x5f: {  	[hbm4b:s7+s3] =	stream.linear.scatter [tilespmem:s21], [sflag:$0xA], $0x4000, $0x38;
	[tilespmem:$0x19000] =	vst v63  }
0x60: {  	_ =	swait.ge @p0 [sflag:s6], $0x4000  }
0x61: {  	[sflag:s6] =	ssyncset.done @p0 $0x0  }
0x62: {  	s7 =	simm.s32 @p0 $0x11000;
	[sflag:s6] =	ssyncadd.s32 @p0 $0xFFFFC000;
	s6 =	simm.s32 @p0 $0x0  }
0x63: {  	[hbm4b:s9+s6] =	stream.linear.scatter @p0 [tilespmem:s7], [sflag:$0xB], $0x4000, $0x38;
	[tilespmem:$0x19000] =	vst v63  }
0x64: {  	s6 =	simm.s32 @!p0 $0x9  }
0x65: {  	_ =	swait.ge @!p0 [sflag:s6], $0x4000  }
0x66: {  	s4 =	simm.s32 @!p0 $0x9000;
	[sflag:s6] =	ssyncset.done @!p0 $0x0  }
0x67: {  	s7 =	simm.s32 @!p0 $0x80;
	[sflag:s6] =	ssyncadd.s32 @!p0 $0xFFFFC000;
	s6 =	sadd.s32 @!p0 $0x180, s20  }
0x68: {  	[tilespmem:s4], [sflag:$0x3] =	stream.indirect.gather @!p0 [hbm4b:s2+s7], $0x80, s6, s7, $0xb8;
	[tilespmem:$0x19000] =	vst v63  }
0x69: {  	s4 =	simm.s32 @!p0 $0x5  }
0x6a: {  	_ =	swait.ge @!p0 [sflag:s4], $0x4000  }
0x6b: {  	[sflag:s4] =	ssyncset.done @!p0 $0x0  }
0x6c: {  	[sflag:s4] =	ssyncadd.s32 @!p0 $0xFFFFC000;
	s4 =	sadd.s32 @!p0 s22, s10  }
0x6d: {  	s8 =	simm.s32 @!p0 $0x11000;
	s6 =	simm.s32 @!p0 $0x0;
	s4 =	sadd.s32 @!p0 $0x40000, s4  }
0x6e: {  	[hbm4b:s4+s6] =	stream.linear.scatter @!p0 [tilespmem:s8], [sflag:$0xB], $0x4000, $0x38;
	[tilespmem:$0x19000] =	vst v63  }
0x6f: {  	s4 =	simm.s32 @!p0 $0xA  }
0x70: {  	_ =	swait.ge @!p0 [sflag:s4], $0x4000  }
0x71: {  	[sflag:s4] =	ssyncset.done @!p0 $0x0  }
0x72: {  	s6 =	simm.s32 @!p0 $0xD000;
	[sflag:s4] =	ssyncadd.s32 @!p0 $0xFFFFC000;
	s4 =	sadd.s32 @!p0 $0x200, s20  }
0x73: {  	[tilespmem:s6], [sflag:$0x4] =	stream.indirect.gather @!p0 [hbm4b:s2+s7], $0x80, s4, s7, $0xb8;
	[tilespmem:$0x19000] =	vst v63  }
.Ltmp2:
0x74: {  	_ = 	snop;
	(pc) =	sbr.rel @p0 .LBB2_4-.Ltmp2, $4  }
0x75: {  	_ =	swait.ge [sflag:s0], $0x4000  }
0x76: {  	[sflag:s0] =	ssyncset.done $0x0  }
0x77: {  	s8 =	sadd.s32 $0x50000, s5;
	[sflag:s0] =	ssyncadd.s32 $0xFFFFC000  }
0x78: {  	[hbm4b:s8+s3] =	stream.linear.scatter [tilespmem:s25], [sflag:$0xC], $0x4000, $0x38;
	[tilespmem:$0x19000] =	vst v63  }
.Ltmp3:
0x79: {  	(pc) =	sbr.rel .LBB2_2-.Ltmp3, $4  }
0x7a: {  	_ =	swait.ge [sflag:s12], $0x4000  }
0x7b: {  	s4 =	sadd.s32 $0x280, s20;
	[sflag:s12] =	ssyncset.done $0x0  }
0x7c: {  	s22 =	sadd.s32 $0x60000, s22;
	s20 =	sadd.s32 $0x300, s20;
	[sflag:s12] =	ssyncadd.s32 $0xFFFFC000  }
0x7d: {  	[tilespmem:s23], [sflag:$0x5] =	stream.indirect.gather [hbm4b:s2+s15], $0x80, s4, s15, $0xb8;
	[tilespmem:$0x19000] =	vst v63  }
.LBB2_5:
0x7e: {  	_ =	sfence.sel $0x180000  }
0x7f: {  	[bflag:$0x0] =	sbarrier.arrive $0xFFFF  }
0x80: {  	_ =	strace $0x90000047  }
0x81: {  	s0 =	stileid.u32;
	[bflag:$0x2] =	sbarrier.arrive $0xFFFF  }
0x82: {  	p0 =	sne.s32 s0, $0x0;
	s0 =	rddreg [dreg:$0x3]  }
0x83: {  	s0 =	sadd.s32 @!p0 $0x100000, s0  }
0x84: {  	[sflag:s0] =	ssyncadd.tile.s32 @!p0 $0x1;
	_ =	shalt  }
.Lfunc_end2:
_tile_overlayer_lowered:
.L_overlay_start_2:
0x85: {  	(tag) =	ssettag $0x2  }
0x86: {  	s0 =	rddreg [dreg:$0x0];
	s2 =	stileid.u32  }
0x87: {  	s1 =	rddreg [dreg:$0x1];
	p0 =	sne.s32 s2, $0x0  }
0x88: {  	s3 =	rddreg [dreg:$0x2];
	[bflag:$0x3] =	sbarrier.arrive $0xFFFF;
	s2 =	simm.s32 @!p0 $0x1C0D  }
0x89: {  	[timem:s3], [sflag:s2] =	dma.local @!p0 [hbm:s0], s1  }
0x8a: {  	s0 =	simm.s32 @!p0 $0xD  }
0x8b: {  	_ =	swait.ge @!p0 [sflag:s0], s1  }
0x8c: {  	s1 =	ssub.s32 @!p0 $0x0, s1;
	[sflag:s0] =	ssyncset.done @!p0 $0x0  }
0x8d: {  	[sflag:s0] =	ssyncadd.s32 @!p0 s1  }
0x8e: {  	[bflag:$0x3] =	sbarrier.arrive $0xFFFF  }
0x8f: {  	_ =	shalt  }

</sc_bundles>
